<compile_context>
chip_gen: v7x
topology: tpu7x:2x2x1
jax: 0.10.2.dev20260603
libtpu: 0.0.44.dev20260713+nightly
codegen_flags: <defaults>
</compile_context>

<pallas_src>
import functools

import jax
import jax.numpy as jnp
from jax import lax
from jax.experimental import pallas as pl
from jax.experimental.pallas import tpu as pltpu
from jax.experimental.pallas import tpu_sc as plsc

N_NODES = 10000
D = 128
N_EDGES = 320000
NC = 2
NS = 16
NW = NC * NS
CHUNK = 128
NCHUNK = N_EDGES // CHUNK
N_PAD = 10240
ROWS_PER_SUB = N_PAD // NS
ZR = 128

_mesh = functools.partial(
    plsc.VectorSubcoreMesh, core_axis_name="c", subcore_axis_name="s"
)


def _wid():
    return lax.axis_index("s") * NC + lax.axis_index("c")


@jax.jit
def _sc_degree(dst):

    @functools.partial(
        pl.kernel,
        mesh=_mesh(),
        out_type=jax.ShapeDtypeStruct((NC, N_PAD, 16), jnp.float32),
        scratch_types=[
            pltpu.VMEM((CHUNK,), jnp.int32),
            pltpu.VMEM((CHUNK,), jnp.int32),
            pltpu.VMEM((CHUNK,), jnp.int32),
            pltpu.VMEM((CHUNK,), jnp.int32),
            pltpu.VMEM((CHUNK, 16), jnp.float32),
            pltpu.VMEM_SHARED((N_PAD, 16), jnp.float32),
        ],
    )
    def k(dst_hbm, out_hbm, dxA, dxB, dxC, dxD, ones_v, acc_sh):
        cid = lax.axis_index("c")
        sid = lax.axis_index("s")
        wid = _wid()

        @pl.loop(0, CHUNK)
        def _(r):
            ones_v[r, :] = jnp.zeros((16,), jnp.float32)

        @pl.loop(0, 5)
        def _(j):
            pltpu.sync_copy(
                ones_v.at[pl.ds(0, ZR)],
                acc_sh.at[pl.ds(sid * ROWS_PER_SUB + j * ZR, ZR)],
            )

        @pl.loop(0, CHUNK)
        def _(r):
            ones_v[r, :] = jnp.full((16,), 1.0, jnp.float32)

        def i_load(i, buf):
            c = i * NW + wid

            @pl.when(c < NCHUNK)
            def _():
                pltpu.sync_copy(dst_hbm.at[pl.ds(c * CHUNK, CHUNK)], buf)

        def scat(i, buf):
            c = i * NW + wid

            @pl.when(c < NCHUNK)
            def _():
                pltpu.sync_copy(ones_v, acc_sh.at[buf], add=True)

        i_load(0, dxA)
        plsc.subcore_barrier()

        bufs = (dxA, dxB, dxC, dxD)

        @pl.loop(0, 20)
        def _(p):
            i0 = 4 * p
            for q in range(4):
                i_load(i0 + q + 1, bufs[(q + 1) % 4])
                scat(i0 + q, bufs[q])

        plsc.subcore_barrier()
        pltpu.sync_copy(
            acc_sh.at[pl.ds(sid * ROWS_PER_SUB, ROWS_PER_SUB)],
            out_hbm.at[cid, pl.ds(sid * ROWS_PER_SUB, ROWS_PER_SUB)],
        )

    return k(dst)


@jax.jit
def _sc_aggregate(hp, src, dst):

    @functools.partial(
        pl.kernel,
        mesh=_mesh(),
        out_type=jax.ShapeDtypeStruct((NC, N_PAD, D), jnp.float32),
        scratch_types=[
            pltpu.VMEM((CHUNK,), jnp.int32),
            pltpu.VMEM((CHUNK,), jnp.int32),
            pltpu.VMEM((CHUNK,), jnp.int32),
            pltpu.VMEM((CHUNK,), jnp.int32),
            pltpu.VMEM((CHUNK, D), jnp.float32),
            pltpu.VMEM((CHUNK, D), jnp.float32),
            pltpu.VMEM_SHARED((N_PAD, D), jnp.float32),
            pltpu.SemaphoreType.DMA,
        ],
    )
    def k(hp_hbm, src_hbm, dst_hbm, out_hbm,
          sA, dA, sB, dB, rows0, rows1, acc_sh, sem):
        cid = lax.axis_index("c")
        sid = lax.axis_index("s")
        wid = _wid()

        def i_load(i, sbuf, dbuf):
            c = i * NW + wid

            @pl.when(c < NCHUNK)
            def _():
                base = c * CHUNK
                pltpu.sync_copy(src_hbm.at[pl.ds(base, CHUNK)], sbuf)
                pltpu.sync_copy(dst_hbm.at[pl.ds(base, CHUNK)], dbuf)

        def g_scat(i, sbuf, dbuf, rows):
            c = i * NW + wid

            @pl.when(c < NCHUNK)
            def _():
                pltpu.async_copy(hp_hbm.at[sbuf], rows, sem).wait()
                pltpu.sync_copy(rows, acc_sh.at[dbuf], add=True)

        @pl.loop(0, CHUNK)
        def _(r):
            for cc in range(D // 16):
                rows0[r, pl.ds(cc * 16, 16)] = jnp.zeros((16,), jnp.float32)

        @pl.loop(0, 5)
        def _(j):
            pltpu.sync_copy(
                rows0.at[pl.ds(0, ZR)],
                acc_sh.at[pl.ds(sid * ROWS_PER_SUB + j * ZR, ZR)],
            )

        i_load(0, sA, dA)
        plsc.subcore_barrier()

        @pl.loop(0, ((NCHUNK + NW - 1) // NW + 1) // 2)
        def _(p):
            i0 = 2 * p
            i1 = i0 + 1
            i_load(i1, sB, dB)
            g_scat(i0, sA, dA, rows0)
            i_load(i1 + 1, sA, dA)
            g_scat(i1, sB, dB, rows1)

        plsc.subcore_barrier()
        pltpu.sync_copy(
            acc_sh.at[pl.ds(sid * ROWS_PER_SUB, ROWS_PER_SUB)],
            out_hbm.at[cid, pl.ds(sid * ROWS_PER_SUB, ROWS_PER_SUB)],
        )

    return k(hp, src, dst)


def _tc_mm(x, W):

    def body(x_ref, w_ref, h_ref):
        h_ref[...] = jnp.dot(
            x_ref[...], w_ref[...], preferred_element_type=jnp.float32
        )

    return pl.pallas_call(
        body,
        out_shape=jax.ShapeDtypeStruct((N_NODES, D), jnp.float32),
    )(x, W)


def _tc_scale(h, degp):

    def body(h_ref, dp_ref, hp_ref, dinv_ref):
        deg = dp_ref[0, :, 0:1] + dp_ref[1, :, 0:1] + 1.0
        dinv = lax.rsqrt(deg)
        hp_ref[...] = h_ref[...] * dinv
        dinv_ref[...] = dinv

    return pl.pallas_call(
        body,
        out_shape=(
            jax.ShapeDtypeStruct((N_NODES, D), jnp.float32),
            jax.ShapeDtypeStruct((N_NODES, 1), jnp.float32),
        ),
    )(h, degp)


def _tc2(acc, hp, dinv, W2, b1):

    def body(a_ref, hp_ref, dinv_ref, w_ref, b_ref, out_ref):
        dinv = dinv_ref[...]
        t = (a_ref[0] + a_ref[1] + hp_ref[...]) * dinv + b_ref[...]
        h1 = jnp.maximum(t, 0.0)
        out_ref[...] = (
            jnp.dot(h1, w_ref[...], preferred_element_type=jnp.float32) * dinv
        )

    return pl.pallas_call(
        body,
        out_shape=jax.ShapeDtypeStruct((N_NODES, D), jnp.float32),
    )(acc, hp, dinv, W2, b1)


def _tc3(acc, hp, dinv, b2):
    def body(a_ref, hp_ref, dinv_ref, b_ref, out_ref):
        out_ref[...] = (a_ref[0] + a_ref[1] + hp_ref[...]) * dinv_ref[
            ...
        ] + b_ref[...]

    return pl.pallas_call(
        body,
        out_shape=jax.ShapeDtypeStruct((N_NODES, D), jnp.float32),
    )(acc, hp, dinv, b2)


def kernel(x, edge_index, W1, b1, W2, b2):
    src = edge_index[0].astype(jnp.int32)
    dst = edge_index[1].astype(jnp.int32)
    b1r = b1.reshape(1, D)
    b2r = b2.reshape(1, D)

    degp = _sc_degree(dst)[:, :N_NODES]
    h1 = _tc_mm(x, W1)
    h1p, dinv = _tc_scale(h1, degp)
    acc1 = _sc_aggregate(h1p, src, dst)[:, :N_NODES]
    h2p = _tc2(acc1, h1p, dinv, W2, b1r)
    acc2 = _sc_aggregate(h2p, src, dst)[:, :N_NODES]
    return _tc3(acc2, h2p, dinv, b2r)

# --- scband reference (transcript-rebuilt; emitter-appended) ---
"""Pipeline reference for scband-gcnencoder-34419867910896 (READ-ONLY COPY).

The authoritative reference and input builder live on the scoring server;
editing this copy changes nothing except your own understanding.
"""

import jax, jax.numpy as jnp
import numpy as np

N_NODES = 10000
D_IN = 128
D_EMB = 128
N_EDGES = 320000


def _glorot(key, shape):
    fan_in, fan_out = shape[0], shape[1]
    limit = (6.0 / (fan_in + fan_out)) ** 0.5
    return jax.random.uniform(key, shape, minval=-limit, maxval=limit, dtype=jnp.float32)


def setup_inputs(seed: int = 0) -> dict:
    key = jax.random.key(seed)
    k1, k2, k3, k4 = jax.random.split(key, 4)
    x = jax.random.normal(k1, (N_NODES, D_IN), dtype=jnp.float32)
    edge_index = jax.random.randint(k2, (2, N_EDGES), 0, N_NODES, dtype=jnp.int64)
    W1 = _glorot(k3, (D_IN, D_EMB))
    b1 = jnp.zeros((D_EMB,), dtype=jnp.float32)
    W2 = _glorot(k4, (D_EMB, D_EMB))
    b2 = jnp.zeros((D_EMB,), dtype=jnp.float32)
    return {"x": x, "edge_index": edge_index, "W1": W1, "b1": b1, "W2": W2, "b2": b2}


def _gcn_conv(x, src, dst, W, b, n_nodes):
    # Linear transform
    h = x @ W
    # Symmetric normalization with self-loops (PyG GCNConv default)
    loop = jnp.arange(n_nodes, dtype=src.dtype)
    src2 = jnp.concatenate([src, loop])
    dst2 = jnp.concatenate([dst, loop])
    deg = jnp.zeros((n_nodes,), dtype=h.dtype).at[dst2].add(1.0)
    dinv = jnp.where(deg > 0, deg ** -0.5, 0.0)
    norm = dinv[src2] * dinv[dst2]
    # Gather messages from source nodes, scale, scatter-add to destination nodes
    msg = h[src2] * norm[:, None]
    out = jnp.zeros_like(h).at[dst2].add(msg)
    return out + b


def reference(x, edge_index, W1, b1, W2, b2):
    n_nodes = x.shape[0]
    src, dst = edge_index[0], edge_index[1]
    h = _gcn_conv(x, src, dst, W1, b1, n_nodes)
    h = jax.nn.relu(h)
    out = _gcn_conv(h, src, dst, W2, b2, n_nodes)
    return out

if __name__ == "__main__":
    import jax
    _d = setup_inputs()
    print(jax.jit(kernel)(*tuple(_d.values())))

</pallas_src>

<mosaic_0001>
#map = affine_map<(d0, d1) -> (0)>
#map1 = affine_map<(d0, d1) -> (0, 0, 0)>
module attributes {stable_mosaic.version = 14 : i64} {
  func.func @k(%arg0: i32, %arg1: i32, %arg2: memref<320000xi32, #tpu.memory_space<hbm>>, %arg3: memref<2x10240x16xf32, #tpu.memory_space<hbm>>, %arg4: memref<128xi32, #tpu.memory_space<vmem>>, %arg5: memref<128xi32, #tpu.memory_space<vmem>>, %arg6: memref<128xi32, #tpu.memory_space<vmem>>, %arg7: memref<128xi32, #tpu.memory_space<vmem>>, %arg8: memref<128x16xf32, #tpu.memory_space<vmem>>, %arg9: memref<10240x16xf32, #tpu.memory_space<vmem_shared>>) attributes {dimension_semantics = [#tpu.dimension_semantics<core_parallel>, #tpu.dimension_semantics<subcore_parallel>], iteration_bounds = array<i64: 2, 16>, scalar_prefetch = 0 : i64, scratch_operands = 6 : i64, tpu.core_type = #tpu.core_type<sc_vector_subcore>, window_params = [{transform_indices = #map}, {transform_indices = #map1}]} {
    %mul3A = arith.constant 2 : i32
    %mul3A_0 = arith.muli %arg1, %mul3A : i32
    %add3A = arith.addi %mul3A_0, %arg0 : i32
    %scan3A = arith.constant 0 : i32
    %scan3A_1 = arith.constant 128 : i32
    %scan3A_2 = arith.addi %scan3A, %scan3A_1 : i32
    %scan3A_3 = arith.constant 1 : i32
    scf.for %scan3A_29 = %scan3A to %scan3A_2 step %scan3A_3  : i32 {
      %mul3A_30 = arith.constant 1 : i32
      %mul3A_31 = arith.muli %scan3A_29, %mul3A_30 : i32
      %add3A_32 = arith.constant 0 : i32
      %add3A_33 = arith.addi %add3A_32, %mul3A_31 : i32
      %broadcast_in_dim3A = arith.constant 0.000000e+00 : f32
      %broadcast_in_dim3A_34 = vector.broadcast %broadcast_in_dim3A : f32 to vector<16xf32>
      %swap3A = arith.index_cast %add3A_33 : i32 to index
      %swap3A_35 = arith.constant 0 : index
      %swap3A_36 = tpu.vector_load %arg8[%swap3A, %swap3A_35] {strides = array<i32>} : memref<128x16xf32, #tpu.memory_space<vmem>>, vector<1x16xf32>,
      %swap3A_37 = vector.shape_cast %swap3A_36 : vector<1x16xf32> to vector<16xf32>
      %swap3A_38 = vector.shape_cast %broadcast_in_dim3A_34 : vector<16xf32> to vector<1x16xf32>
      tpu.vector_store %arg8[%swap3A, %swap3A_35], %swap3A_38 {strides = array<i32>} : memref<128x16xf32, #tpu.memory_space<vmem>>, vector<1x16xf32>,
    }
    %scan3A_4 = arith.constant 128 : i32
    %scan3A_5 = arith.constant 0 : i32
    %scan3A_6 = arith.constant 5 : i32
    %scan3A_7 = arith.addi %scan3A_5, %scan3A_6 : i32
    %scan3A_8 = arith.constant 1 : i32
    scf.for %scan3A_29 = %scan3A_5 to %scan3A_7 step %scan3A_8  : i32 {
      %mul3A_30 = arith.constant 1 : i32
      %mul3A_31 = arith.muli %scan3A_29, %mul3A_30 : i32
      %add3A_32 = arith.constant 0 : i32
      %add3A_33 = arith.addi %add3A_32, %mul3A_31 : i32
      %mul3A_34 = arith.constant 640 : i32
      %mul3A_35 = arith.muli %arg1, %mul3A_34 : i32
      %mul3A_36 = arith.constant 128 : i32
      %mul3A_37 = arith.muli %add3A_33, %mul3A_36 : i32
      %add3A_38 = arith.addi %mul3A_35, %mul3A_37 : i32
      "tpu.region"() ({
        %run_scoped3A = tpu.sem_alloc : memref<!tpu.dma_semaphore, #tpu.memory_space<semaphore_mem>>
        %dma_start3A = arith.constant 0 : i32
        %dma_start3A_39 = arith.constant 0 : i32
        %dma_start3A_40 = tpu.memref_slice %arg8[%dma_start3A, %dma_start3A_39] : memref<128x16xf32, #tpu.memory_space<vmem>> -> memref<128x16xf32, #tpu.memory_space<vmem>>
        %dma_start3A_41 = arith.constant 0 : i32
        %dma_start3A_42 = tpu.memref_slice %arg9[%add3A_38, %dma_start3A_41] : memref<10240x16xf32, #tpu.memory_space<vmem_shared>> -> memref<128x16xf32, #tpu.memory_space<vmem_shared>>
        %dma_start3A_43 = arith.constant 0 : i32
        %dma_start3A_44 = tpu.memref_slice %arg9[%add3A_38, %dma_start3A_43] : memref<10240x16xf32, #tpu.memory_space<vmem_shared>> -> memref<128x16xf32, #tpu.memory_space<vmem_shared>>
        %dma_start3A_45 = arith.constant 0 : i32
        %dma_start3A_46 = arith.constant 0 : i32
        %dma_start3A_47 = tpu.memref_slice %arg8[%dma_start3A_45, %dma_start3A_46] : memref<128x16xf32, #tpu.memory_space<vmem>> -> memref<128x16xf32, #tpu.memory_space<vmem>>
        tpu.enqueue_dma source(%dma_start3A_47 : memref<128x16xf32, #tpu.memory_space<vmem>>) target(%dma_start3A_44 : memref<128x16xf32, #tpu.memory_space<vmem_shared>>) target_semaphore(%run_scoped3A : memref<!tpu.dma_semaphore, #tpu.memory_space<semaphore_mem>>)
        %dma_wait3A = arith.constant 0 : i32
        %dma_wait3A_48 = arith.constant 0 : i32
        %dma_wait3A_49 = tpu.memref_slice %arg8[%dma_wait3A, %dma_wait3A_48] : memref<128x16xf32, #tpu.memory_space<vmem>> -> memref<128x16xf32, #tpu.memory_space<vmem>>
        %dma_wait3A_50 = arith.constant 0 : i32
        %dma_wait3A_51 = tpu.memref_slice %arg9[%add3A_38, %dma_wait3A_50] : memref<10240x16xf32, #tpu.memory_space<vmem_shared>> -> memref<128x16xf32, #tpu.memory_space<vmem_shared>>
        %dma_wait3A_52 = arith.constant 0 : i32
        %dma_wait3A_53 = tpu.memref_slice %arg9[%add3A_38, %dma_wait3A_52] : memref<10240x16xf32, #tpu.memory_space<vmem_shared>> -> memref<128x16xf32, #tpu.memory_space<vmem_shared>>
        %dma_wait3A_54 = arith.constant 0 : i32
        %dma_wait3A_55 = arith.constant 0 : i32
        %dma_wait3A_56 = tpu.memref_slice %arg8[%dma_wait3A_54, %dma_wait3A_55] : memref<128x16xf32, #tpu.memory_space<vmem>> -> memref<128x16xf32, #tpu.memory_space<vmem>>
        tpu.wait_dma2 semaphore(%run_scoped3A : memref<!tpu.dma_semaphore, #tpu.memory_space<semaphore_mem>>) src(%dma_wait3A_56 : memref<128x16xf32, #tpu.memory_space<vmem>>) dst(%dma_wait3A_53 : memref<128x16xf32, #tpu.memory_space<vmem_shared>>)
        tpu.yield
      }) : () -> ()
    }
    %scan3A_9 = arith.constant 5 : i32
    %scan3A_10 = arith.constant 0 : i32
    %scan3A_11 = arith.constant 128 : i32
    %scan3A_12 = arith.addi %scan3A_10, %scan3A_11 : i32
    %scan3A_13 = arith.constant 1 : i32
    scf.for %scan3A_29 = %scan3A_10 to %scan3A_12 step %scan3A_13  : i32 {
      %mul3A_30 = arith.constant 1 : i32
      %mul3A_31 = arith.muli %scan3A_29, %mul3A_30 : i32
      %add3A_32 = arith.constant 0 : i32
      %add3A_33 = arith.addi %add3A_32, %mul3A_31 : i32
      %broadcast_in_dim3A = arith.constant 1.000000e+00 : f32
      %broadcast_in_dim3A_34 = vector.broadcast %broadcast_in_dim3A : f32 to vector<16xf32>
      %swap3A = arith.index_cast %add3A_33 : i32 to index
      %swap3A_35 = arith.constant 0 : index
      %swap3A_36 = tpu.vector_load %arg8[%swap3A, %swap3A_35] {strides = array<i32>} : memref<128x16xf32, #tpu.memory_space<vmem>>, vector<1x16xf32>,
      %swap3A_37 = vector.shape_cast %swap3A_36 : vector<1x16xf32> to vector<16xf32>
      %swap3A_38 = vector.shape_cast %broadcast_in_dim3A_34 : vector<16xf32> to vector<1x16xf32>
      tpu.vector_store %arg8[%swap3A, %swap3A_35], %swap3A_38 {strides = array<i32>} : memref<128x16xf32, #tpu.memory_space<vmem>>, vector<1x16xf32>,
    }
    %scan3A_14 = arith.constant 128 : i32
    %add3A_15 = arith.constant 0 : i32
    %add3A_16 = arith.addi %add3A_15, %add3A : i32
    %lt3A = arith.constant 2500 : i32
    %lt3A_17 = arith.cmpi slt, %add3A_16, %lt3A : i32
    %convert_element_type3A = arith.extui %lt3A_17 : i1 to i32
    %cond3A = arith.constant 0 : i32
    %cond3A_18 = arith.cmpi ne, %convert_element_type3A, %cond3A : i32
    scf.if %cond3A_18 {
      %mul3A_29 = arith.constant 128 : i32
      %mul3A_30 = arith.muli %add3A_16, %mul3A_29 : i32
      "tpu.region"() ({
        %run_scoped3A = tpu.sem_alloc : memref<!tpu.dma_semaphore, #tpu.memory_space<semaphore_mem>>
        %dma_start3A = tpu.memref_slice %arg2[%mul3A_30] : memref<320000xi32, #tpu.memory_space<hbm>> -> memref<128xi32, #tpu.memory_space<hbm>>
        %dma_start3A_31 = tpu.memref_slice %arg2[%mul3A_30] : memref<320000xi32, #tpu.memory_space<hbm>> -> memref<128xi32, #tpu.memory_space<hbm>>
        tpu.enqueue_dma source(%dma_start3A_31 : memref<128xi32, #tpu.memory_space<hbm>>) target(%arg4 : memref<128xi32, #tpu.memory_space<vmem>>) target_semaphore(%run_scoped3A : memref<!tpu.dma_semaphore, #tpu.memory_space<semaphore_mem>>)
        %dma_wait3A = tpu.memref_slice %arg2[%mul3A_30] : memref<320000xi32, #tpu.memory_space<hbm>> -> memref<128xi32, #tpu.memory_space<hbm>>
        %dma_wait3A_32 = tpu.memref_slice %arg2[%mul3A_30] : memref<320000xi32, #tpu.memory_space<hbm>> -> memref<128xi32, #tpu.memory_space<hbm>>
        tpu.wait_dma2 semaphore(%run_scoped3A : memref<!tpu.dma_semaphore, #tpu.memory_space<semaphore_mem>>) src(%dma_wait3A_32 : memref<128xi32, #tpu.memory_space<hbm>>) dst(%arg4 : memref<128xi32, #tpu.memory_space<vmem>>)
        tpu.yield
      }) : () -> ()
    } else {
    }
    %barrier3A = arith.constant 0 : index
    tpu.barrier barrier_id(%barrier3A)
    %scan3A_19 = arith.constant 0 : i32
    %scan3A_20 = arith.constant 20 : i32
    %scan3A_21 = arith.addi %scan3A_19, %scan3A_20 : i32
    %scan3A_22 = arith.constant 1 : i32
    scf.for %scan3A_29 = %scan3A_19 to %scan3A_21 step %scan3A_22  : i32 {
      %mul3A_30 = arith.constant 1 : i32
      %mul3A_31 = arith.muli %scan3A_29, %mul3A_30 : i32
      %add3A_32 = arith.constant 0 : i32
      %add3A_33 = arith.addi %add3A_32, %mul3A_31 : i32
      %mul3A_34 = arith.constant 4 : i32
      %mul3A_35 = arith.muli %mul3A_34, %add3A_33 : i32
      %add3A_36 = arith.constant 0 : i32
      %add3A_37 = arith.addi %mul3A_35, %add3A_36 : i32
      %add3A_38 = arith.constant 1 : i32
      %add3A_39 = arith.addi %add3A_37, %add3A_38 : i32
      %mul3A_40 = arith.constant 32 : i32
      %mul3A_41 = arith.muli %add3A_39, %mul3A_40 : i32
      %add3A_42 = arith.addi %mul3A_41, %add3A : i32
      %lt3A_43 = arith.constant 2500 : i32
      %lt3A_44 = arith.cmpi slt, %add3A_42, %lt3A_43 : i32
      %convert_element_type3A_45 = arith.extui %lt3A_44 : i1 to i32
      %cond3A_46 = arith.constant 0 : i32
      %cond3A_47 = arith.cmpi ne, %convert_element_type3A_45, %cond3A_46 : i32
      scf.if %cond3A_47 {
        %mul3A_124 = arith.constant 128 : i32
        %mul3A_125 = arith.muli %add3A_42, %mul3A_124 : i32
        "tpu.region"() ({
          %run_scoped3A = tpu.sem_alloc : memref<!tpu.dma_semaphore, #tpu.memory_space<semaphore_mem>>
          %dma_start3A = tpu.memref_slice %arg2[%mul3A_125] : memref<320000xi32, #tpu.memory_space<hbm>> -> memref<128xi32, #tpu.memory_space<hbm>>
          %dma_start3A_126 = tpu.memref_slice %arg2[%mul3A_125] : memref<320000xi32, #tpu.memory_space<hbm>> -> memref<128xi32, #tpu.memory_space<hbm>>
          tpu.enqueue_dma source(%dma_start3A_126 : memref<128xi32, #tpu.memory_space<hbm>>) target(%arg5 : memref<128xi32, #tpu.memory_space<vmem>>) target_semaphore(%run_scoped3A : memref<!tpu.dma_semaphore, #tpu.memory_space<semaphore_mem>>)
          %dma_wait3A = tpu.memref_slice %arg2[%mul3A_125] : memref<320000xi32, #tpu.memory_space<hbm>> -> memref<128xi32, #tpu.memory_space<hbm>>
          %dma_wait3A_127 = tpu.memref_slice %arg2[%mul3A_125] : memref<320000xi32, #tpu.memory_space<hbm>> -> memref<128xi32, #tpu.memory_space<hbm>>
          tpu.wait_dma2 semaphore(%run_scoped3A : memref<!tpu.dma_semaphore, #tpu.memory_space<semaphore_mem>>) src(%dma_wait3A_127 : memref<128xi32, #tpu.memory_space<hbm>>) dst(%arg5 : memref<128xi32, #tpu.memory_space<vmem>>)
          tpu.yield
        }) : () -> ()
      } else {
      }
      %add3A_48 = arith.constant 0 : i32
      %add3A_49 = arith.addi %mul3A_35, %add3A_48 : i32
      %mul3A_50 = arith.constant 32 : i32
      %mul3A_51 = arith.muli %add3A_49, %mul3A_50 : i32
      %add3A_52 = arith.addi %mul3A_51, %add3A : i32
      %lt3A_53 = arith.constant 2500 : i32
      %lt3A_54 = arith.cmpi slt, %add3A_52, %lt3A_53 : i32
      %convert_element_type3A_55 = arith.extui %lt3A_54 : i1 to i32
      %cond3A_56 = arith.constant 0 : i32
      %cond3A_57 = arith.cmpi ne, %convert_element_type3A_55, %cond3A_56 : i32
      scf.if %cond3A_57 {
        "tpu.region"() ({
          %run_scoped3A = tpu.sem_alloc : memref<!tpu.dma_semaphore, #tpu.memory_space<semaphore_mem>>
          %dma_start3A = arith.constant 0 : i32
          %dma_start3A_124 = arith.constant 0 : i32
          %dma_start3A_125 = tpu.memref_slice %arg9[%dma_start3A, %dma_start3A_124] : memref<10240x16xf32, #tpu.memory_space<vmem_shared>> -> memref<10240x16xf32, #tpu.memory_space<vmem_shared>>
          tpu.enqueue_indirect_dma source(%arg8 : memref<128x16xf32, #tpu.memory_space<vmem>>) target(%dma_start3A_125 : memref<10240x16xf32, #tpu.memory_space<vmem_shared>>) offsets(%arg4 : memref<128xi32, #tpu.memory_space<vmem>>) semaphore(%run_scoped3A : memref<!tpu.dma_semaphore, #tpu.memory_space<semaphore_mem>>) {add = true}
          %dma_wait3A = arith.constant 0 : i32
          %dma_wait3A_126 = arith.constant 0 : i32
          %dma_wait3A_127 = tpu.memref_slice %arg9[%dma_wait3A, %dma_wait3A_126] : memref<10240x16xf32, #tpu.memory_space<vmem_shared>> -> memref<10240x16xf32, #tpu.memory_space<vmem_shared>>
          tpu.wait_indirect_dma semaphore(%run_scoped3A : memref<!tpu.dma_semaphore, #tpu.memory_space<semaphore_mem>>) src(%arg8 : memref<128x16xf32, #tpu.memory_space<vmem>>) dst(%dma_wait3A_127 : memref<10240x16xf32, #tpu.memory_space<vmem_shared>>)
          tpu.yield
        }) : () -> ()
      } else {
      }
      %add3A_58 = arith.constant 1 : i32
      %add3A_59 = arith.addi %mul3A_35, %add3A_58 : i32
      %add3A_60 = arith.constant 1 : i32
      %add3A_61 = arith.addi %add3A_59, %add3A_60 : i32
      %mul3A_62 = arith.constant 32 : i32
      %mul3A_63 = arith.muli %add3A_61, %mul3A_62 : i32
      %add3A_64 = arith.addi %mul3A_63, %add3A : i32
      %lt3A_65 = arith.constant 2500 : i32
      %lt3A_66 = arith.cmpi slt, %add3A_64, %lt3A_65 : i32
      %convert_element_type3A_67 = arith.extui %lt3A_66 : i1 to i32
      %cond3A_68 = arith.constant 0 : i32
      %cond3A_69 = arith.cmpi ne, %convert_element_type3A_67, %cond3A_68 : i32
      scf.if %cond3A_69 {
        %mul3A_124 = arith.constant 128 : i32
        %mul3A_125 = arith.muli %add3A_64, %mul3A_124 : i32
        "tpu.region"() ({
          %run_scoped3A = tpu.sem_alloc : memref<!tpu.dma_semaphore, #tpu.memory_space<semaphore_mem>>
          %dma_start3A = tpu.memref_slice %arg2[%mul3A_125] : memref<320000xi32, #tpu.memory_space<hbm>> -> memref<128xi32, #tpu.memory_space<hbm>>
          %dma_start3A_126 = tpu.memref_slice %arg2[%mul3A_125] : memref<320000xi32, #tpu.memory_space<hbm>> -> memref<128xi32, #tpu.memory_space<hbm>>
          tpu.enqueue_dma source(%dma_start3A_126 : memref<128xi32, #tpu.memory_space<hbm>>) target(%arg6 : memref<128xi32, #tpu.memory_space<vmem>>) target_semaphore(%run_scoped3A : memref<!tpu.dma_semaphore, #tpu.memory_space<semaphore_mem>>)
          %dma_wait3A = tpu.memref_slice %arg2[%mul3A_125] : memref<320000xi32, #tpu.memory_space<hbm>> -> memref<128xi32, #tpu.memory_space<hbm>>
          %dma_wait3A_127 = tpu.memref_slice %arg2[%mul3A_125] : memref<320000xi32, #tpu.memory_space<hbm>> -> memref<128xi32, #tpu.memory_space<hbm>>
          tpu.wait_dma2 semaphore(%run_scoped3A : memref<!tpu.dma_semaphore, #tpu.memory_space<semaphore_mem>>) src(%dma_wait3A_127 : memref<128xi32, #tpu.memory_space<hbm>>) dst(%arg6 : memref<128xi32, #tpu.memory_space<vmem>>)
          tpu.yield
        }) : () -> ()
      } else {
      }
      %add3A_70 = arith.constant 1 : i32
      %add3A_71 = arith.addi %mul3A_35, %add3A_70 : i32
      %mul3A_72 = arith.constant 32 : i32
      %mul3A_73 = arith.muli %add3A_71, %mul3A_72 : i32
      %add3A_74 = arith.addi %mul3A_73, %add3A : i32
      %lt3A_75 = arith.constant 2500 : i32
      %lt3A_76 = arith.cmpi slt, %add3A_74, %lt3A_75 : i32
      %convert_element_type3A_77 = arith.extui %lt3A_76 : i1 to i32
      %cond3A_78 = arith.constant 0 : i32
      %cond3A_79 = arith.cmpi ne, %convert_element_type3A_77, %cond3A_78 : i32
      scf.if %cond3A_79 {
        "tpu.region"() ({
          %run_scoped3A = tpu.sem_alloc : memref<!tpu.dma_semaphore, #tpu.memory_space<semaphore_mem>>
          %dma_start3A = arith.constant 0 : i32
          %dma_start3A_124 = arith.constant 0 : i32
          %dma_start3A_125 = tpu.memref_slice %arg9[%dma_start3A, %dma_start3A_124] : memref<10240x16xf32, #tpu.memory_space<vmem_shared>> -> memref<10240x16xf32, #tpu.memory_space<vmem_shared>>
          tpu.enqueue_indirect_dma source(%arg8 : memref<128x16xf32, #tpu.memory_space<vmem>>) target(%dma_start3A_125 : memref<10240x16xf32, #tpu.memory_space<vmem_shared>>) offsets(%arg5 : memref<128xi32, #tpu.memory_space<vmem>>) semaphore(%run_scoped3A : memref<!tpu.dma_semaphore, #tpu.memory_space<semaphore_mem>>) {add = true}
          %dma_wait3A = arith.constant 0 : i32
          %dma_wait3A_126 = arith.constant 0 : i32
          %dma_wait3A_127 = tpu.memref_slice %arg9[%dma_wait3A, %dma_wait3A_126] : memref<10240x16xf32, #tpu.memory_space<vmem_shared>> -> memref<10240x16xf32, #tpu.memory_space<vmem_shared>>
          tpu.wait_indirect_dma semaphore(%run_scoped3A : memref<!tpu.dma_semaphore, #tpu.memory_space<semaphore_mem>>) src(%arg8 : memref<128x16xf32, #tpu.memory_space<vmem>>) dst(%dma_wait3A_127 : memref<10240x16xf32, #tpu.memory_space<vmem_shared>>)
          tpu.yield
        }) : () -> ()
      } else {
      }
      %add3A_80 = arith.constant 2 : i32
      %add3A_81 = arith.addi %mul3A_35, %add3A_80 : i32
      %add3A_82 = arith.constant 1 : i32
      %add3A_83 = arith.addi %add3A_81, %add3A_82 : i32
      %mul3A_84 = arith.constant 32 : i32
      %mul3A_85 = arith.muli %add3A_83, %mul3A_84 : i32
      %add3A_86 = arith.addi %mul3A_85, %add3A : i32
      %lt3A_87 = arith.constant 2500 : i32
      %lt3A_88 = arith.cmpi slt, %add3A_86, %lt3A_87 : i32
      %convert_element_type3A_89 = arith.extui %lt3A_88 : i1 to i32
      %cond3A_90 = arith.constant 0 : i32
      %cond3A_91 = arith.cmpi ne, %convert_element_type3A_89, %cond3A_90 : i32
      scf.if %cond3A_91 {
        %mul3A_124 = arith.constant 128 : i32
        %mul3A_125 = arith.muli %add3A_86, %mul3A_124 : i32
        "tpu.region"() ({
          %run_scoped3A = tpu.sem_alloc : memref<!tpu.dma_semaphore, #tpu.memory_space<semaphore_mem>>
          %dma_start3A = tpu.memref_slice %arg2[%mul3A_125] : memref<320000xi32, #tpu.memory_space<hbm>> -> memref<128xi32, #tpu.memory_space<hbm>>
          %dma_start3A_126 = tpu.memref_slice %arg2[%mul3A_125] : memref<320000xi32, #tpu.memory_space<hbm>> -> memref<128xi32, #tpu.memory_space<hbm>>
          tpu.enqueue_dma source(%dma_start3A_126 : memref<128xi32, #tpu.memory_space<hbm>>) target(%arg7 : memref<128xi32, #tpu.memory_space<vmem>>) target_semaphore(%run_scoped3A : memref<!tpu.dma_semaphore, #tpu.memory_space<semaphore_mem>>)
          %dma_wait3A = tpu.memref_slice %arg2[%mul3A_125] : memref<320000xi32, #tpu.memory_space<hbm>> -> memref<128xi32, #tpu.memory_space<hbm>>
          %dma_wait3A_127 = tpu.memref_slice %arg2[%mul3A_125] : memref<320000xi32, #tpu.memory_space<hbm>> -> memref<128xi32, #tpu.memory_space<hbm>>
          tpu.wait_dma2 semaphore(%run_scoped3A : memref<!tpu.dma_semaphore, #tpu.memory_space<semaphore_mem>>) src(%dma_wait3A_127 : memref<128xi32, #tpu.memory_space<hbm>>) dst(%arg7 : memref<128xi32, #tpu.memory_space<vmem>>)
          tpu.yield
        }) : () -> ()
      } else {
      }
      %add3A_92 = arith.constant 2 : i32
      %add3A_93 = arith.addi %mul3A_35, %add3A_92 : i32
      %mul3A_94 = arith.constant 32 : i32
      %mul3A_95 = arith.muli %add3A_93, %mul3A_94 : i32
      %add3A_96 = arith.addi %mul3A_95, %add3A : i32
      %lt3A_97 = arith.constant 2500 : i32
      %lt3A_98 = arith.cmpi slt, %add3A_96, %lt3A_97 : i32
      %convert_element_type3A_99 = arith.extui %lt3A_98 : i1 to i32
      %cond3A_100 = arith.constant 0 : i32
      %cond3A_101 = arith.cmpi ne, %convert_element_type3A_99, %cond3A_100 : i32
      scf.if %cond3A_101 {
        "tpu.region"() ({
          %run_scoped3A = tpu.sem_alloc : memref<!tpu.dma_semaphore, #tpu.memory_space<semaphore_mem>>
          %dma_start3A = arith.constant 0 : i32
          %dma_start3A_124 = arith.constant 0 : i32
          %dma_start3A_125 = tpu.memref_slice %arg9[%dma_start3A, %dma_start3A_124] : memref<10240x16xf32, #tpu.memory_space<vmem_shared>> -> memref<10240x16xf32, #tpu.memory_space<vmem_shared>>
          tpu.enqueue_indirect_dma source(%arg8 : memref<128x16xf32, #tpu.memory_space<vmem>>) target(%dma_start3A_125 : memref<10240x16xf32, #tpu.memory_space<vmem_shared>>) offsets(%arg6 : memref<128xi32, #tpu.memory_space<vmem>>) semaphore(%run_scoped3A : memref<!tpu.dma_semaphore, #tpu.memory_space<semaphore_mem>>) {add = true}
          %dma_wait3A = arith.constant 0 : i32
          %dma_wait3A_126 = arith.constant 0 : i32
          %dma_wait3A_127 = tpu.memref_slice %arg9[%dma_wait3A, %dma_wait3A_126] : memref<10240x16xf32, #tpu.memory_space<vmem_shared>> -> memref<10240x16xf32, #tpu.memory_space<vmem_shared>>
          tpu.wait_indirect_dma semaphore(%run_scoped3A : memref<!tpu.dma_semaphore, #tpu.memory_space<semaphore_mem>>) src(%arg8 : memref<128x16xf32, #tpu.memory_space<vmem>>) dst(%dma_wait3A_127 : memref<10240x16xf32, #tpu.memory_space<vmem_shared>>)
          tpu.yield
        }) : () -> ()
      } else {
      }
      %add3A_102 = arith.constant 3 : i32
      %add3A_103 = arith.addi %mul3A_35, %add3A_102 : i32
      %add3A_104 = arith.constant 1 : i32
      %add3A_105 = arith.addi %add3A_103, %add3A_104 : i32
      %mul3A_106 = arith.constant 32 : i32
      %mul3A_107 = arith.muli %add3A_105, %mul3A_106 : i32
      %add3A_108 = arith.addi %mul3A_107, %add3A : i32
      %lt3A_109 = arith.constant 2500 : i32
      %lt3A_110 = arith.cmpi slt, %add3A_108, %lt3A_109 : i32
      %convert_element_type3A_111 = arith.extui %lt3A_110 : i1 to i32
      %cond3A_112 = arith.constant 0 : i32
      %cond3A_113 = arith.cmpi ne, %convert_element_type3A_111, %cond3A_112 : i32
      scf.if %cond3A_113 {
        %mul3A_124 = arith.constant 128 : i32
        %mul3A_125 = arith.muli %add3A_108, %mul3A_124 : i32
        "tpu.region"() ({
          %run_scoped3A = tpu.sem_alloc : memref<!tpu.dma_semaphore, #tpu.memory_space<semaphore_mem>>
          %dma_start3A = tpu.memref_slice %arg2[%mul3A_125] : memref<320000xi32, #tpu.memory_space<hbm>> -> memref<128xi32, #tpu.memory_space<hbm>>
          %dma_start3A_126 = tpu.memref_slice %arg2[%mul3A_125] : memref<320000xi32, #tpu.memory_space<hbm>> -> memref<128xi32, #tpu.memory_space<hbm>>
          tpu.enqueue_dma source(%dma_start3A_126 : memref<128xi32, #tpu.memory_space<hbm>>) target(%arg4 : memref<128xi32, #tpu.memory_space<vmem>>) target_semaphore(%run_scoped3A : memref<!tpu.dma_semaphore, #tpu.memory_space<semaphore_mem>>)
          %dma_wait3A = tpu.memref_slice %arg2[%mul3A_125] : memref<320000xi32, #tpu.memory_space<hbm>> -> memref<128xi32, #tpu.memory_space<hbm>>
          %dma_wait3A_127 = tpu.memref_slice %arg2[%mul3A_125] : memref<320000xi32, #tpu.memory_space<hbm>> -> memref<128xi32, #tpu.memory_space<hbm>>
          tpu.wait_dma2 semaphore(%run_scoped3A : memref<!tpu.dma_semaphore, #tpu.memory_space<semaphore_mem>>) src(%dma_wait3A_127 : memref<128xi32, #tpu.memory_space<hbm>>) dst(%arg4 : memref<128xi32, #tpu.memory_space<vmem>>)
          tpu.yield
        }) : () -> ()
      } else {
      }
      %add3A_114 = arith.constant 3 : i32
      %add3A_115 = arith.addi %mul3A_35, %add3A_114 : i32
      %mul3A_116 = arith.constant 32 : i32
      %mul3A_117 = arith.muli %add3A_115, %mul3A_116 : i32
      %add3A_118 = arith.addi %mul3A_117, %add3A : i32
      %lt3A_119 = arith.constant 2500 : i32
      %lt3A_120 = arith.cmpi slt, %add3A_118, %lt3A_119 : i32
      %convert_element_type3A_121 = arith.extui %lt3A_120 : i1 to i32
      %cond3A_122 = arith.constant 0 : i32
      %cond3A_123 = arith.cmpi ne, %convert_element_type3A_121, %cond3A_122 : i32
      scf.if %cond3A_123 {
        "tpu.region"() ({
          %run_scoped3A = tpu.sem_alloc : memref<!tpu.dma_semaphore, #tpu.memory_space<semaphore_mem>>
          %dma_start3A = arith.constant 0 : i32
          %dma_start3A_124 = arith.constant 0 : i32
          %dma_start3A_125 = tpu.memref_slice %arg9[%dma_start3A, %dma_start3A_124] : memref<10240x16xf32, #tpu.memory_space<vmem_shared>> -> memref<10240x16xf32, #tpu.memory_space<vmem_shared>>
          tpu.enqueue_indirect_dma source(%arg8 : memref<128x16xf32, #tpu.memory_space<vmem>>) target(%dma_start3A_125 : memref<10240x16xf32, #tpu.memory_space<vmem_shared>>) offsets(%arg7 : memref<128xi32, #tpu.memory_space<vmem>>) semaphore(%run_scoped3A : memref<!tpu.dma_semaphore, #tpu.memory_space<semaphore_mem>>) {add = true}
          %dma_wait3A = arith.constant 0 : i32
          %dma_wait3A_126 = arith.constant 0 : i32
          %dma_wait3A_127 = tpu.memref_slice %arg9[%dma_wait3A, %dma_wait3A_126] : memref<10240x16xf32, #tpu.memory_space<vmem_shared>> -> memref<10240x16xf32, #tpu.memory_space<vmem_shared>>
          tpu.wait_indirect_dma semaphore(%run_scoped3A : memref<!tpu.dma_semaphore, #tpu.memory_space<semaphore_mem>>) src(%arg8 : memref<128x16xf32, #tpu.memory_space<vmem>>) dst(%dma_wait3A_127 : memref<10240x16xf32, #tpu.memory_space<vmem_shared>>)
          tpu.yield
        }) : () -> ()
      } else {
      }
    }
    %scan3A_23 = arith.constant 20 : i32
    %barrier3A_24 = arith.constant 0 : index
    tpu.barrier barrier_id(%barrier3A_24)
    %mul3A_25 = arith.constant 640 : i32
    %mul3A_26 = arith.muli %arg1, %mul3A_25 : i32
    %mul3A_27 = arith.constant 640 : i32
    %mul3A_28 = arith.muli %arg1, %mul3A_27 : i32
    "tpu.region"() ({
      %run_scoped3A = tpu.sem_alloc : memref<!tpu.dma_semaphore, #tpu.memory_space<semaphore_mem>>
      %dma_start3A = arith.constant 0 : i32
      %dma_start3A_29 = tpu.memref_slice %arg3[%arg0, %mul3A_28, %dma_start3A] : memref<2x10240x16xf32, #tpu.memory_space<hbm>> -> memref<1x640x16xf32, #tpu.memory_space<hbm>>
      %dma_start3A_30 = tpu.memref_squeeze %dma_start3A_29 : memref<1x640x16xf32, #tpu.memory_space<hbm>> -> memref<640x16xf32, #tpu.memory_space<hbm>>
      %dma_start3A_31 = arith.constant 0 : i32
      %dma_start3A_32 = tpu.memref_slice %arg9[%mul3A_26, %dma_start3A_31] : memref<10240x16xf32, #tpu.memory_space<vmem_shared>> -> memref<640x16xf32, #tpu.memory_space<vmem_shared>>
      tpu.enqueue_dma source(%dma_start3A_32 : memref<640x16xf32, #tpu.memory_space<vmem_shared>>) target(%dma_start3A_30 : memref<640x16xf32, #tpu.memory_space<hbm>>) target_semaphore(%run_scoped3A : memref<!tpu.dma_semaphore, #tpu.memory_space<semaphore_mem>>)
      %dma_wait3A = arith.constant 0 : i32
      %dma_wait3A_33 = tpu.memref_slice %arg3[%arg0, %mul3A_28, %dma_wait3A] : memref<2x10240x16xf32, #tpu.memory_space<hbm>> -> memref<1x640x16xf32, #tpu.memory_space<hbm>>
      %dma_wait3A_34 = tpu.memref_squeeze %dma_wait3A_33 : memref<1x640x16xf32, #tpu.memory_space<hbm>> -> memref<640x16xf32, #tpu.memory_space<hbm>>
      %dma_wait3A_35 = arith.constant 0 : i32
      %dma_wait3A_36 = tpu.memref_slice %arg9[%mul3A_26, %dma_wait3A_35] : memref<10240x16xf32, #tpu.memory_space<vmem_shared>> -> memref<640x16xf32, #tpu.memory_space<vmem_shared>>
      tpu.wait_dma2 semaphore(%run_scoped3A : memref<!tpu.dma_semaphore, #tpu.memory_space<semaphore_mem>>) src(%dma_wait3A_36 : memref<640x16xf32, #tpu.memory_space<vmem_shared>>) dst(%dma_wait3A_34 : memref<640x16xf32, #tpu.memory_space<hbm>>)
      tpu.yield
    }) : () -> ()
    return
  }
}

</mosaic_0001>

<sc_bundles>
// kernel: _sc_degree.3.cloned.1.call-start
scs
__scs_entry_jumppad:
0x0: {  	(pc) =	sbr.rel $0x88, $3  }
0x1: {  	(tag) =	ssettag $0x0;
	lr =	simm.s32 $0x1  }
0x2: {  	[smem:$0x3FA0] =	sst lr;
	_ =	strace $0xD0000000  }
0x3: {  	_ = 	snop  }
0x4: {  	_ = 	snop  }
0x5: {  	_ = 	snop  }
0x6: {  	_ = 	snop  }
0x7: {  	_ = 	snop  }
__scs_overlays_trampoline_lowered:
0x8: {  	[smem:$0x3FAF] =	sst s0  }
0x9: {  	[smem:$0x3FB0] =	sst s1  }
0xa: {  	[smem:$0x3FB1] =	sst s2  }
0xb: {  	[smem:$0x3FB2] =	sst s3  }
0xc: {  	[smem:$0x3FB3] =	sst s4  }
0xd: {  	[smem:$0x3FB4] =	sst s5  }
0xe: {  	[smem:$0x3FB5] =	sst s6  }
0xf: {  	[smem:$0x3FB6] =	sst s7  }
0x10: {  	[smem:$0x3FB7] =	sst s8  }
0x11: {  	[smem:$0x3FB8] =	sst s9;
	s0 =	simm.s32 @!p0 $0x0  }
0x12: {  	s1 =	sld [smem:$0x3F9E];
	s0 =	simm.s32 @p0 $0x1  }
0x13: {  	[smem:$0x3FB9] =	sst s0;
	s0 =	simm.s32 @!p1 $0x0  }
0x14: {  	s2 =	sld [smem:$0x3F9D];
	s0 =	simm.s32 @p1 $0x1  }
0x15: {  	[smem:$0x3FBA] =	sst s0;
	s0 =	simm.s32 @!p2 $0x0  }
0x16: {  	s3 =	sld [smem:$0x3FDB];
	s0 =	simm.s32 @p2 $0x1  }
0x17: {  	s4 =	simm.s32 $0x1BF5;
	[smem:$0x3FBC] =	sst s0  }
0x18: {  	s0 =	sld [smem:$0x3F9F];
	_ =	swait.ge [sflag:s4], $0x0  }
0x19: {  	s7 =	sld [smem:$0x3FA0]  }
0x1a: {  	s8 =	sadd.s32 $0xFFFFE003, lr  }
0x1b: {  	s9 =	sadd.s32 $0xFFFFFEF7, lr;
	s5 =	simm.s32 $0xFFFFFFFF;
	p2 =	slt.u32 s8, $0xFFFFF086  }
0x1c: {  	p1 =	slt.u32 s9, $0xF7A;
	s5 =	simm.s32 @!p2 $0x0  }
0x1d: {  	s5 =	simm.s32 @p1 $0x1;
	p0 =	seq.s32 s7, s2  }
0x1e: {  	s7 =	smul.u32 @!p0 $0xF7A, s2;
	p2 =	seq.s32 @!p0 s5, $0x0  }
0x1f: {  	s9 =	smul.u32 $0xF7A, s1;
	s8 =	simm.s32 @!p0 $0x1BF5;
	p2 =	por !p2, p0  }
0x20: {  	[sflag:s8] =	ssyncset.s32 @!p0 $0xFFFFF086;
	s6 =	sadd.s32 @!p0 s3, s7;
	s7 =	simm.s32 @!p0 $0x108  }
0x21: {  	s3 =	sadd.s32 s3, s9;
	s6 =	sadd.s32 @!p0 $0x88, s6;
	s7 =	simm.s32 @p2 $0x1082  }
0x22: {  	[simem:s7], [sflag:s8] =	dma.local @!p0 [hbm:s6], $0xF7A  }
0x23: {  	s9 =	sor.u32 $0xD0000000, s2;
	s6 =	simm.s32 $0x108;
	_ =	swait.ge @!p0 [sflag:s8], $0x0  }
0x24: {  	s3 =	sadd.s32 $0x88, s3;
	s6 =	simm.s32 @!p1 $0x1082;
	[sflag:s4] =	ssyncset.s32 $0xFFFFF086  }
0x25: {  	[simem:s6], [sflag:s4] =	dma.local [hbm:s3], $0xF7A  }
0x26: {  	[smem:$0x3FA0] =	sst s1;
	(tag) =	ssettag s2;
	_ =	strace s9  }
0x27: {  	s1 =	sld [smem:$0x3FB0]  }
0x28: {  	s2 =	sld [smem:$0x3FB1]  }
0x29: {  	s4 =	sld [smem:$0x3FB3]  }
0x2a: {  	p0 =	seq.s32 s5, $0x0;
	s5 =	sld [smem:$0x3FB4]  }
0x2b: {  	s6 =	sld [smem:$0x3FB5]  }
0x2c: {  	s7 =	sld [smem:$0x3FB6]  }
0x2d: {  	s3 =	simm.s32 $0x108;
	s8 =	sld [smem:$0x3FB7]  }
0x2e: {  	s3 =	simm.s32 @!p0 $0x1082;
	s9 =	sld [smem:$0x3FB8]  }
0x2f: {  	lr =	sadd.s32 s0, s3;
	s0 =	sld [smem:$0x3FAF]  }
0x30: {  	s3 =	sld [smem:$0x3FB2]  }
0x31: {  	[smem:$0x3FBB] =	sst s10  }
0x32: {  	s10 =	sld [smem:$0x3FB9];
	_ =	sdelay $0x3  }
0x33: {  	p0 =	seq.s32 s10, $0x1;
	s10 =	sld [smem:$0x3FBB];
	_ =	sdelay $0x3  }
0x34: {  	[smem:$0x3FBB] =	sst s10  }
0x35: {  	s10 =	sld [smem:$0x3FBA];
	_ =	sdelay $0x3  }
0x36: {  	p1 =	seq.s32 s10, $0x1;
	s10 =	sld [smem:$0x3FBB];
	_ =	sdelay $0x3  }
0x37: {  	[smem:$0x3FBB] =	sst s10  }
0x38: {  	s10 =	sld [smem:$0x3FBC]  }
0x39: {  	_ = 	snop;
	(pc) =	sbr.ind lr, $3  }
0x3a: {  	_ = 	snop  }
0x3b: {  	_ = 	snop  }
0x3c: {  	p2 =	seq.s32 s10, $0x1;
	s10 =	sld [smem:$0x3FBB]  }
0x3d: {  	_ =	shalt  }
0x3e: {  	_ =	shalt  }
0x3f: {  	_ =	shalt  }
0x40: {  	_ =	shalt  }
0x41: {  	_ =	shalt  }
0x42: {  	_ =	shalt  }
0x43: {  	_ =	shalt  }
0x44: {  	_ =	shalt  }
0x45: {  	_ =	shalt  }
0x46: {  	_ =	shalt  }
0x47: {  	_ =	shalt  }
0x48: {  	_ =	shalt  }
0x49: {  	_ =	shalt  }
0x4a: {  	_ =	shalt  }
0x4b: {  	_ =	shalt  }
0x4c: {  	_ =	shalt  }
0x4d: {  	_ =	shalt  }
0x4e: {  	_ =	shalt  }
0x4f: {  	_ =	shalt  }
0x50: {  	_ =	shalt  }
0x51: {  	_ =	shalt  }
0x52: {  	_ =	shalt  }
0x53: {  	_ =	shalt  }
0x54: {  	_ =	shalt  }
0x55: {  	_ =	shalt  }
0x56: {  	_ =	shalt  }
0x57: {  	_ =	shalt  }
0x58: {  	_ =	shalt  }
0x59: {  	_ =	shalt  }
0x5a: {  	_ =	shalt  }
0x5b: {  	_ =	shalt  }
0x5c: {  	_ =	shalt  }
0x5d: {  	_ =	shalt  }
0x5e: {  	_ =	shalt  }
0x5f: {  	_ =	shalt  }
0x60: {  	_ =	shalt  }
0x61: {  	_ =	shalt  }
0x62: {  	_ =	shalt  }
0x63: {  	_ =	shalt  }
0x64: {  	_ =	shalt  }
0x65: {  	_ =	shalt  }
0x66: {  	_ =	shalt  }
0x67: {  	_ =	shalt  }
0x68: {  	_ =	shalt  }
0x69: {  	_ =	shalt  }
0x6a: {  	_ =	shalt  }
0x6b: {  	_ =	shalt  }
0x6c: {  	_ =	shalt  }
0x6d: {  	_ =	shalt  }
0x6e: {  	_ =	shalt  }
0x6f: {  	_ =	shalt  }
0x70: {  	_ =	shalt  }
0x71: {  	_ =	shalt  }
0x72: {  	_ =	shalt  }
0x73: {  	_ =	shalt  }
0x74: {  	_ =	shalt  }
0x75: {  	_ =	shalt  }
0x76: {  	_ =	shalt  }
0x77: {  	_ =	shalt  }
0x78: {  	_ =	shalt  }
0x79: {  	_ =	shalt  }
0x7a: {  	_ =	shalt  }
0x7b: {  	_ =	shalt  }
0x7c: {  	_ =	shalt  }
0x7d: {  	_ =	shalt  }
0x7e: {  	_ =	shalt  }
0x7f: {  	_ =	shalt  }
0x80: {  	_ =	shalt  }
0x81: {  	_ =	shalt  }
0x82: {  	_ =	shalt  }
0x83: {  	_ =	shalt  }
0x84: {  	_ =	shalt  }
0x85: {  	_ =	shalt  }
0x86: {  	_ =	shalt  }
0x87: {  	_ =	shalt  }
.Lfunc_end0:
.L_simem_size_0:
called_computation_lowered:
.L_overlay_start_0:
0x88: {  	s2 =	sld [smem:$0x3FD9]  }
0x89: {  	s3 =	sld [smem:$0x3FFE];
	_ =	sdelay $0x1  }
0x8a: {  	s1 =	srdreg.scid  }
0x8b: {  	s0 =	sand.u32 $0x1, s1  }
0x8c: {  	s17 =	sshll.u32 s0, $0xA;
	s2 =	sadd.s32 s3, s2  }
0x8d: {  	s2 =	sadd.s32 s2, s17  }
0x8e: {  	[smem:$0x3FC7] =	sst s2  }
0x8f: {  	_ = 	snop  }
0x90: {  	s2 =	sld [smem:$0x3FC9];
	(tm) =	ssettm $0x1  }
0x91: {  	s18 =	sld [smem:$0x3FFB];
	_ =	sdelay $0x3  }
0x92: {  	_ =	strace s18  }
0x93: {  	s3 =	sld [smem:$0x3FFC];
	_ =	sdelay $0x3  }
0x94: {  	_ =	strace s3  }
0x95: {  	s3 =	sld [smem:$0x3FFD];
	_ =	sdelay $0x3  }
0x96: {  	_ =	strace s3  }
0x97: {  	_ =	strace $0x8FFFFFFF  }
0x98: {  	s19 =	sld [smem:$0x3FDB];
	_ =	sdelay $0x1  }
0x99: {  	s4 =	simm.s32 $_scs_section_size  }
0x9a: {  	s5 =	simm.s32 $_size__tile_overlayer_lowered;
	s6 =	simm.s32 $_tile_overlayer_lowered  }
0x9b: {  	s22 =	simm.s32 $0x1BFF;
	s21 =	sshll.u32 s6, $0x1;
	s3 =	sadd.s32 s4, s19  }
0x9c: {  	s7 =	simm.s32 $0x0;
	s20 =	sshll.u32 s5, $0x1;
	s5 =	sadd.s32 s21, s3  }
0x9d: {  	[timem:s7], [sflag:s22] =	dma.local [hbm:s5], s20  }
0x9e: {  	_ =	swait.ge [sflag:s22], s20  }
0x9f: {  	s4 =	ssub.s32 $0x0, s20;
	[sflag:s22] =	ssyncset.done $0x0  }
0xa0: {  	[sflag:s22] =	ssyncadd.s32 s4;
	_ =	sdelay $0x1  }
0xa1: {  	s23 =	simm.s32 $0x1B8B  }
0xa2: {  	_ =	swait.ge [sflag:s23], $0x1  }
0xa3: {  	[sflag:s23] =	ssyncset.done $0x0  }
0xa4: {  	s25 =	simm.s32 $0x1B8E;
	s24 =	sld [smem:$0x3FFE];
	[sflag:s23] =	ssyncadd.s32 $0xFFFFFFFF  }
0xa5: {  	s26 =	simm.s32 $execute0_lowered;
	[smem:$0x3FD2] =	sst s25  }
0xa6: {  	s5 =	sshll.u32 s26, $0x1;
	_ =	strace $0x80000046;
	[dreg:$0x1] =	wrdreg $0xFFFFFFFF  }
0xa7: {  	s28 =	simm.s32 $_size_execute0_lowered;
	s3 =	sadd.s32 s3, s5;
	[dreg:$0x0] =	wrdreg $0x0  }
0xa8: {  	s5 =	sshll.u32 s28, $0x1;
	[dreg:$0x2] =	wrdreg s3  }
0xa9: {  	[dreg:$0x3] =	wrdreg s5  }
0xaa: {  	[dreg:$0x4] =	wrdreg $0xC0  }
0xab: {  	_ =	task [dreg:s7], $0x5FFFF  }
0xac: {  	[dreg:$0x1] =	wrdreg $0xFFFFFFFF  }
0xad: {  	[dreg:$0x0] =	wrdreg $0x60  }
0xae: {  	[dreg:$0x2] =	wrdreg s2  }
0xaf: {  	[dreg:$0x3] =	wrdreg s24  }
0xb0: {  	[dreg:$0x4] =	wrdreg $0x42000  }
0xb1: {  	[dreg:$0x5] =	wrdreg $0x9  }
0xb2: {  	_ =	task.clear_ibuf [dreg:s7], $0x6FFFF;
	_ =	strace $0x90000046  }
0xb3: {  	s29 =	simm.s32 $0x9;
	_ =	strace $0x80000048  }
0xb4: {  	_ =	swait.ge [sflag:s29], $0x1  }
0xb5: {  	[sflag:s29] =	ssyncadd.s32 $0xFFFFFFFF  }
0xb6: {  	_ =	strace $0x90000048  }
0xb7: {  	_ =	sfence  }
0xb8: {  	s30 =	sld [smem:$0x0];
	_ =	sdelay $0x2  }
0xb9: {  	s31 =	sshll.u32 s1, $0xD;
	s1 =	sshrl.u32 s1, $0x2  }
0xba: {  	s3 =	sand.u32 $0x4000, s31;
	s1 =	sadd.s32 s1, s30  }
0xbb: {  	s0 =	sor.u32 s3, s0;
	s1 =	sshll.u32 s1, $0x11  }
0xbc: {  	s0 =	sor.u32 s1, s0  }
0xbd: {  	s0 =	sadd.s32 $0x8F2B, s0  }
0xbe: {  	[sflag:s0] =	ssyncadd.remote.s32 $0x1  }
0xbf: {  	_ =	sfence.sel $0xFFFF  }
0xc0: {  	[dreg:$0x0] =	wrdreg $0xFFFFFFFF;
	(pc) =	sbr.abs _section_cstart, $3  }
0xc1: {  	[dreg:$0x1] =	wrdreg $0xFFFFFFFF  }
0xc2: {  	_ =	task.clear_ibuf [dreg:s7], $0x2FFFF;
	_ =	strace $0x9FFFFFFF  }
0xc3: {  	(tm) =	ssettm $0x7FFFFFFF  }
tec
execute0_lowered:
.L_overlay_start_1:
0x0: {  	(tag) =	ssettag $0x1  }
0x1: {  	s10 =	rddreg [dreg:$0x0]  }
0x2: {  	s4 =	rddreg [dreg:$0x1]  }
0x3: {  	s2 =	rddreg [dreg:$0x2]  }
0x4: {  	s0 =	srdreg.scid;
	s1 =	rddreg [dreg:$0x3]  }
0x5: {  	s3 =	simm.s32 $0x0;
	s15 =	simm.s32 $0x1;
	s16 =	simm.s32 $0x80  }
0x6: {  	s17 =	simm.s32 $0x2;
	s11 =	sand.u32 $0x1, s0;
	s0 =	stileid.u32  }
0x7: {  	s18 =	simm.s32 $0x0;
	[smem:$0x7FF] =	sst s3;
	s5 =	smul.u32 $0x140000, s11  }
0x8: {  	s6 =	smul.u32 $0x14000, s0;
	_ =	strace $0x80000047;
	s26 =	ssub.s32 $0x2, s11  }
0x9: {  	s7 =	sshll.u32 s0, $0x1;
	s8 =	smul.u32 $0x50000, s0;
	s12 =	sshll.u32 s0, $0x5  }
0xa: {  	s14 =	sshll.u32 s11, $0x4;
	s28 =	sshrl.u32 s26, $0x1;
	s13 =	sor.u32 s11, s7  }
0xb: {  	s12 =	sadd.s32 s12, s10;
	s5 =	sadd.s32 s6, s5;
	s29 =	ssub.s32 s26, s28  }
0xc: {  	s30 =	sshrl.u32 s8, $0x2;
	s31 =	sshll.u32 s13, $0x4;
	s12 =	sadd.s32 s14, s12  }
0xd: {  	s13 =	sor.u32 $0x80, s13;
	s14 =	simm.s32 $0x200;
	s5 =	sshrl.u32 s5, $0x3  }
0xe: {  	s7 =	smax.u32 s29, $0x1;
	s9 =	sadd.s32 s5, s4;
	s4 =	sadd.s32 s30, s2  }
0xf: {  	s5 =	sadd.s32 s10, s31;
	s6 =	sadd.s32 $0x400, s9;
	s8 =	sadd.s32 $0x4000, s4  }
0x10: {  	v0 =	vimm.f32 $0.0e+00;
	v1 =	vimm.f32 $1.000000000e+00;
	s9 =	sadd.s32 $0x8000, s4;
	s10 =	sadd.s32 $0xC000, s4;
	s11 =	sadd.s32 $0x10000, s4  }
.LBB2_1:
0x11: {  	s19 =	simm.s32 $0x200;
	s20 =	simm.s32 $0x0  }
.LBB2_2:
0x12: {  	p0 =	sne.s32 s19, $0xFE00;
	[tilespmem:s20+$0x200] =	vst v0;
	s20 =	smov.u32 s19;
	s19 =	sadd.s32 $0x200, s19  }
.Ltmp0:
0x13: {  	(pc) =	sbr.rel @p0 .LBB2_2-.Ltmp0, $2  }
0x14: {  	_ =	sdelay $0x2  }
0x15: {  	s20 =	sshra.s32 s20, $0x2  }
0x16: {  	[tilespmem:s20+$0x200] =	vst v0  }
0x17: {  	[spmem:s4] =	stream.linear.scatter [tilespmem:s14], [sflag:$0x1], $0x4000, $0x38;
	[tilespmem:$0x6A00] =	vst v63  }
0x18: {  	_ =	swait.ge [sflag:s15], $0x4000  }
0x19: {  	[sflag:s15] =	ssyncset.done $0x0  }
0x1a: {  	[sflag:s15] =	ssyncadd.s32 $0xFFFFC000  }
0x1b: {  	[spmem:s8] =	stream.linear.scatter [tilespmem:s14], [sflag:$0x1], $0x4000, $0x38;
	[tilespmem:$0x6A00] =	vst v63  }
0x1c: {  	_ =	swait.ge [sflag:s15], $0x4000  }
0x1d: {  	[sflag:s15] =	ssyncset.done $0x0  }
0x1e: {  	[sflag:s15] =	ssyncadd.s32 $0xFFFFC000  }
0x1f: {  	[spmem:s9] =	stream.linear.scatter [tilespmem:s14], [sflag:$0x1], $0x4000, $0x38;
	[tilespmem:$0x6A00] =	vst v63  }
0x20: {  	_ =	swait.ge [sflag:s15], $0x4000  }
0x21: {  	[sflag:s15] =	ssyncset.done $0x0  }
0x22: {  	[sflag:s15] =	ssyncadd.s32 $0xFFFFC000  }
0x23: {  	[spmem:s10] =	stream.linear.scatter [tilespmem:s14], [sflag:$0x1], $0x4000, $0x38;
	[tilespmem:$0x6A00] =	vst v63  }
0x24: {  	_ =	swait.ge [sflag:s15], $0x4000  }
0x25: {  	[sflag:s15] =	ssyncset.done $0x0  }
0x26: {  	[sflag:s15] =	ssyncadd.s32 $0xFFFFC000  }
0x27: {  	[spmem:s11] =	stream.linear.scatter [tilespmem:s14], [sflag:$0x1], $0x4000, $0x38;
	[tilespmem:$0x6A00] =	vst v63  }
0x28: {  	_ =	swait.ge [sflag:s15], $0x4000  }
0x29: {  	[sflag:s15] =	ssyncset.done $0x0  }
0x2a: {  	s19 =	simm.s32 $0x200;
	s20 =	simm.s32 $0x0;
	[sflag:s15] =	ssyncadd.s32 $0xFFFFC000  }
.LBB2_4:
0x2b: {  	p0 =	sne.s32 s19, $0xFE00;
	[tilespmem:s20+$0x200] =	vst v1;
	s20 =	smov.u32 s19;
	s19 =	sadd.s32 $0x200, s19  }
.Ltmp1:
0x2c: {  	(pc) =	sbr.rel @p0 .LBB2_4-.Ltmp1, $2  }
0x2d: {  	_ =	sdelay $0x2  }
0x2e: {  	s20 =	sshra.s32 s20, $0x2  }
0x2f: {  	[tilespmem:s20+$0x200] =	vst v1;
	s19 =	simm.s32 $0x0  }
0x30: {  	[tilespmem:s19], [sflag:$0x1] =	stream.linear.gather [hbm4b:s5+s19], $0x80, $0x38;
	[tilespmem:$0x6A00] =	vst v63  }
0x31: {  	_ =	swait.ge [sflag:s15], $0x80  }
0x32: {  	[sflag:s15] =	ssyncset.done $0x0  }
0x33: {  	s29 =	sadd.s32 $0x0, s12;
	[sflag:s15] =	ssyncadd.s32 $0xFFFFFF80  }
0x34: {  	s19 =	sadd.s32 $0x200, s29;
	[bflag:$0x0] =	sbarrier.arrive $0xFFFF  }
0x35: {  	[tilespmem:s16], [sflag:$0x2] =	stream.linear.gather [hbm4b:s19+s3], $0x80, $0x38;
	[tilespmem:$0x6A00] =	vst v63  }
0x36: {  	_ =	swait.ge [sflag:s17], $0x80  }
0x37: {  	s30 =	sadd.s32 $0xFFFFFFC0, s13;
	[sflag:s17] =	ssyncset.done $0x0  }
0x38: {  	p1 =	sgt.u32 s30, $0x9C3;
	[sflag:s17] =	ssyncadd.s32 $0xFFFFFF80  }
0x39: {  	[spmem:s2] =	stream.indirect.scatter.add.f32 [tilespmem:s14], [sflag:$0x2], $0x10, s3, s16, $0xb8;
	[tilespmem:$0x6A00] =	vst v63  }
0x3a: {  	s20 =	simm.s32 @!p1 $0x0;
	_ =	swait.ge [sflag:s17], $0x800  }
0x3b: {  	s21 =	simm.s32 @!p1 $0x100;
	s19 =	sadd.s32 @!p1 $0x0, s12;
	[sflag:s17] =	ssyncset.done $0x0  }
0x3c: {  	s22 =	simm.s32 @!p1 $0x2;
	s19 =	sadd.s32 @!p1 $0x400, s19;
	[sflag:s17] =	ssyncadd.s32 $0xFFFFF800  }
0x3d: {  	[tilespmem:s21], [sflag:$0x2] =	stream.linear.gather @!p1 [hbm4b:s19+s20], $0x80, $0x38;
	[tilespmem:$0x6A00] =	vst v63  }
0x3e: {  	_ =	swait.ge @!p1 [sflag:s22], $0x80  }
0x3f: {  	s31 =	sadd.s32 $0xFFFFFFE0, s13;
	[sflag:s22] =	ssyncset.done @!p1 $0x0  }
0x40: {  	p0 =	sgt.u32 s31, $0x9C3;
	[sflag:s22] =	ssyncadd.s32 @!p1 $0xFFFFFF80  }
0x41: {  	[spmem:s2] =	stream.indirect.scatter.add.f32 [tilespmem:s14], [sflag:$0x2], $0x10, s16, s16, $0xb8;
	[tilespmem:$0x6A00] =	vst v63  }
0x42: {  	s23 =	simm.s32 @!p0 $0x2;
	_ =	swait.ge [sflag:s17], $0x800  }
0x43: {  	s24 =	simm.s32 @!p0 $0x180;
	s19 =	sadd.s32 @!p0 $0x0, s12;
	[sflag:s17] =	ssyncset.done $0x0  }
0x44: {  	s20 =	simm.s32 @!p0 $0x0;
	s19 =	sadd.s32 @!p0 $0x600, s19;
	[sflag:s17] =	ssyncadd.s32 $0xFFFFF800  }
0x45: {  	[tilespmem:s24], [sflag:$0x2] =	stream.linear.gather @!p0 [hbm4b:s19+s20], $0x80, $0x38;
	[tilespmem:$0x6A00] =	vst v63  }
0x46: {  	_ =	swait.ge @!p0 [sflag:s23], $0x80  }
0x47: {  	[sflag:s23] =	ssyncset.done @!p0 $0x0  }
0x48: {  	s19 =	simm.s32 @!p1 $0x80;
	s20 =	simm.s32 @!p1 $0x200;
	[sflag:s23] =	ssyncadd.s32 @!p0 $0xFFFFFF80  }
0x49: {  	[spmem:s2] =	stream.indirect.scatter.add.f32 @!p1 [tilespmem:s20], [sflag:$0x2], $0x10, s21, s19, $0xb8;
	[tilespmem:$0x6A00] =	vst v63  }
0x4a: {  	p2 =	sgt.u32 s13, $0x9C3;
	_ =	swait.ge @!p1 [sflag:s22], $0x800  }
0x4b: {  	s19 =	sadd.s32 @!p2 $0x0, s12;
	s20 =	simm.s32 @!p2 $0x0;
	[sflag:s22] =	ssyncset.done @!p1 $0x0  }
0x4c: {  	s21 =	simm.s32 @!p2 $0x2;
	s19 =	sadd.s32 @!p2 $0x800, s19;
	[sflag:s22] =	ssyncadd.s32 @!p1 $0xFFFFF800  }
0x4d: {  	[tilespmem:s20], [sflag:$0x2] =	stream.linear.gather @!p2 [hbm4b:s19+s20], $0x80, $0x38;
	[tilespmem:$0x6A00] =	vst v63  }
0x4e: {  	_ =	swait.ge @!p2 [sflag:s21], $0x80  }
0x4f: {  	s23 =	simm.s32 @!p0 $0x1;
	[sflag:s21] =	ssyncset.done @!p2 $0x0  }
0x50: {  	s19 =	simm.s32 @!p0 $0x80;
	s20 =	simm.s32 @!p0 $0x200;
	[sflag:s21] =	ssyncadd.s32 @!p2 $0xFFFFFF80  }
0x51: {  	[spmem:s2] =	stream.indirect.scatter.add.f32 @!p0 [tilespmem:s20], [sflag:$0x1], $0x10, s24, s19, $0xb8;
	[tilespmem:$0x6A00] =	vst v63  }
0x52: {  	s21 =	simm.s32 $0x1000;
	s19 =	simm.s32 $0x800;
	s20 =	sadd.s32 $0x80, s13  }
.LBB2_6:
0x53: {  	s24 =	sadd.s32 s19, s12  }
0x54: {  	_ =	swait.ge @!p0 [sflag:s23], $0x800;
	s22 =	smov.u32 s21;
	s21 =	sadd.s32 $0x800, s21  }
0x55: {  	p1 =	sne.s32 s21, $0xA000;
	s24 =	sadd.s32 $0x200, s24;
	[sflag:s23] =	ssyncset.done @!p0 $0x0  }
0x56: {  	[sflag:s23] =	ssyncadd.s32 @!p0 $0xFFFFF800  }
0x57: {  	[tilespmem:s16], [sflag:$0x2] =	stream.linear.gather [hbm4b:s24+s3], $0x80, $0x38;
	[tilespmem:$0x6A00] =	vst v63  }
0x58: {  	_ =	swait.ge [sflag:s17], $0x80  }
0x59: {  	s23 =	sadd.s32 $0xFFFFFFC0, s20;
	[sflag:s17] =	ssyncset.done $0x0  }
0x5a: {  	p2 =	sgt.u32 s23, $0x9C3;
	[sflag:s17] =	ssyncadd.s32 $0xFFFFFF80  }
0x5b: {  	[spmem:s2] =	stream.indirect.scatter.add.f32 [tilespmem:s14], [sflag:$0x2], $0x10, s3, s16, $0xb8;
	[tilespmem:$0x6A00] =	vst v63  }
0x5c: {  	s23 =	sadd.s32 @!p2 s19, s12;
	s24 =	simm.s32 @!p2 $0x0;
	_ =	swait.ge [sflag:s17], $0x800  }
0x5d: {  	s25 =	simm.s32 @!p2 $0x100;
	s23 =	sadd.s32 @!p2 $0x400, s23;
	[sflag:s17] =	ssyncset.done $0x0  }
0x5e: {  	s26 =	simm.s32 @!p2 $0x2;
	[sflag:s17] =	ssyncadd.s32 $0xFFFFF800  }
0x5f: {  	[tilespmem:s25], [sflag:$0x2] =	stream.linear.gather @!p2 [hbm4b:s23+s24], $0x80, $0x38;
	[tilespmem:$0x6A00] =	vst v63  }
0x60: {  	_ =	swait.ge @!p2 [sflag:s26], $0x80  }
0x61: {  	[sflag:s26] =	ssyncset.done @!p2 $0x0  }
0x62: {  	s23 =	sadd.s32 $0xFFFFFFE0, s20;
	[sflag:s26] =	ssyncadd.s32 @!p2 $0xFFFFFF80  }
0x63: {  	[spmem:s2] =	stream.indirect.scatter.add.f32 [tilespmem:s14], [sflag:$0x2], $0x10, s16, s16, $0xb8;
	[tilespmem:$0x6A00] =	vst v63  }
0x64: {  	p0 =	sgt.u32 s23, $0x9C3;
	_ =	swait.ge [sflag:s17], $0x800  }
0x65: {  	s23 =	sadd.s32 @!p0 s19, s12;
	s24 =	simm.s32 @!p0 $0x0;
	[sflag:s17] =	ssyncset.done $0x0  }
0x66: {  	s28 =	simm.s32 @!p0 $0x2;
	s23 =	sadd.s32 @!p0 $0x600, s23;
	[sflag:s17] =	ssyncadd.s32 $0xFFFFF800  }
0x67: {  	s29 =	simm.s32 @!p0 $0x180  }
0x68: {  	[tilespmem:s29], [sflag:$0x2] =	stream.linear.gather @!p0 [hbm4b:s23+s24], $0x80, $0x38;
	[tilespmem:$0x6A00] =	vst v63  }
0x69: {  	s23 =	simm.s32 @!p2 $0x80;
	s24 =	simm.s32 @!p2 $0x200;
	_ =	swait.ge @!p0 [sflag:s28], $0x80  }
0x6a: {  	[sflag:s28] =	ssyncset.done @!p0 $0x0  }
0x6b: {  	p3 =	sgt.u32 s20, $0x9C3;
	[sflag:s28] =	ssyncadd.s32 @!p0 $0xFFFFFF80  }
0x6c: {  	[spmem:s2] =	stream.indirect.scatter.add.f32 @!p2 [tilespmem:s24], [sflag:$0x2], $0x10, s25, s23, $0xb8;
	[tilespmem:$0x6A00] =	vst v63  }
0x6d: {  	s23 =	sadd.s32 @!p3 s19, s12;
	s19 =	smov.u32 s22;
	_ =	swait.ge @!p2 [sflag:s26], $0x800  }
0x6e: {  	s22 =	sadd.s32 @!p3 $0x800, s23;
	s23 =	simm.s32 @!p3 $0x0;
	[sflag:s26] =	ssyncset.done @!p2 $0x0  }
0x6f: {  	s24 =	simm.s32 @!p3 $0x2;
	[sflag:s26] =	ssyncadd.s32 @!p2 $0xFFFFF800  }
0x70: {  	[tilespmem:s23], [sflag:$0x2] =	stream.linear.gather @!p3 [hbm4b:s22+s23], $0x80, $0x38;
	[tilespmem:$0x6A00] =	vst v63  }
.Ltmp2:
0x71: {  	_ = 	snop;
	(pc) =	sbr.rel @p1 .LBB2_6-.Ltmp2, $4  }
0x72: {  	_ =	swait.ge @!p3 [sflag:s24], $0x80  }
0x73: {  	s25 =	simm.s32 @!p0 $0x200;
	s22 =	simm.s32 @!p0 $0x80;
	[sflag:s24] =	ssyncset.done @!p3 $0x0  }
0x74: {  	s20 =	sadd.s32 $0x80, s20;
	s23 =	simm.s32 @!p0 $0x1;
	[sflag:s24] =	ssyncadd.s32 @!p3 $0xFFFFFF80  }
0x75: {  	[spmem:s2] =	stream.indirect.scatter.add.f32 @!p0 [tilespmem:s25], [sflag:$0x1], $0x10, s29, s22, $0xb8;
	[tilespmem:$0x6A00] =	vst v63  }
0x76: {  	_ =	swait.ge @!p0 [sflag:s23], $0x800  }
0x77: {  	s21 =	sadd.s32 s19, s12;
	[sflag:s23] =	ssyncset.done @!p0 $0x0  }
0x78: {  	s21 =	sadd.s32 $0x200, s21;
	[sflag:s23] =	ssyncadd.s32 @!p0 $0xFFFFF800  }
0x79: {  	[tilespmem:s16], [sflag:$0x2] =	stream.linear.gather [hbm4b:s21+s3], $0x80, $0x38;
	[tilespmem:$0x6A00] =	vst v63  }
0x7a: {  	_ =	swait.ge [sflag:s17], $0x80  }
0x7b: {  	s28 =	sadd.s32 $0xFFFFFFC0, s20;
	[sflag:s17] =	ssyncset.done $0x0  }
0x7c: {  	p0 =	sgt.u32 s28, $0x9C3;
	[sflag:s17] =	ssyncadd.s32 $0xFFFFFF80  }
0x7d: {  	[spmem:s2] =	stream.indirect.scatter.add.f32 [tilespmem:s14], [sflag:$0x2], $0x10, s3, s16, $0xb8;
	[tilespmem:$0x6A00] =	vst v63  }
0x7e: {  	s21 =	sadd.s32 @!p0 s19, s12;
	_ =	swait.ge [sflag:s17], $0x800  }
0x7f: {  	s22 =	simm.s32 @!p0 $0x0;
	s23 =	simm.s32 @!p0 $0x100;
	[sflag:s17] =	ssyncset.done $0x0  }
0x80: {  	s24 =	simm.s32 @!p0 $0x2;
	s21 =	sadd.s32 @!p0 $0x400, s21;
	[sflag:s17] =	ssyncadd.s32 $0xFFFFF800  }
0x81: {  	[tilespmem:s23], [sflag:$0x2] =	stream.linear.gather @!p0 [hbm4b:s21+s22], $0x80, $0x38;
	[tilespmem:$0x6A00] =	vst v63  }
0x82: {  	_ =	swait.ge @!p0 [sflag:s24], $0x80  }
0x83: {  	s29 =	sadd.s32 $0xFFFFFFE0, s20;
	[sflag:s24] =	ssyncset.done @!p0 $0x0  }
0x84: {  	p1 =	sgt.u32 s29, $0x9C3;
	[sflag:s24] =	ssyncadd.s32 @!p0 $0xFFFFFF80  }
0x85: {  	[spmem:s2] =	stream.indirect.scatter.add.f32 [tilespmem:s14], [sflag:$0x2], $0x10, s16, s16, $0xb8;
	[tilespmem:$0x6A00] =	vst v63  }
0x86: {  	s25 =	simm.s32 @!p1 $0x2;
	_ =	swait.ge [sflag:s17], $0x800  }
0x87: {  	s26 =	simm.s32 @!p1 $0x180;
	s21 =	sadd.s32 @!p1 s19, s12;
	[sflag:s17] =	ssyncset.done $0x0  }
0x88: {  	s22 =	simm.s32 @!p1 $0x0;
	s21 =	sadd.s32 @!p1 $0x600, s21;
	[sflag:s17] =	ssyncadd.s32 $0xFFFFF800  }
0x89: {  	[tilespmem:s26], [sflag:$0x2] =	stream.linear.gather @!p1 [hbm4b:s21+s22], $0x80, $0x38;
	[tilespmem:$0x6A00] =	vst v63  }
0x8a: {  	_ =	swait.ge @!p1 [sflag:s25], $0x80  }
0x8b: {  	[sflag:s25] =	ssyncset.done @!p1 $0x0  }
0x8c: {  	s21 =	simm.s32 @!p0 $0x80;
	s22 =	simm.s32 @!p0 $0x200;
	[sflag:s25] =	ssyncadd.s32 @!p1 $0xFFFFFF80  }
0x8d: {  	[spmem:s2] =	stream.indirect.scatter.add.f32 @!p0 [tilespmem:s22], [sflag:$0x2], $0x10, s23, s21, $0xb8;
	[tilespmem:$0x6A00] =	vst v63  }
0x8e: {  	p2 =	sgt.u32 s20, $0x9C3;
	_ =	swait.ge @!p0 [sflag:s24], $0x800  }
0x8f: {  	s20 =	simm.s32 @!p2 $0x0;
	s19 =	sadd.s32 @!p2 s19, s12;
	[sflag:s24] =	ssyncset.done @!p0 $0x0  }
0x90: {  	s19 =	sadd.s32 @!p2 $0x800, s19;
	s21 =	simm.s32 @!p2 $0x2;
	[sflag:s24] =	ssyncadd.s32 @!p0 $0xFFFFF800  }
0x91: {  	[tilespmem:s20], [sflag:$0x2] =	stream.linear.gather @!p2 [hbm4b:s19+s20], $0x80, $0x38;
	[tilespmem:$0x6A00] =	vst v63  }
0x92: {  	_ =	swait.ge @!p2 [sflag:s21], $0x80  }
0x93: {  	s19 =	simm.s32 @!p1 $0x80;
	[sflag:s21] =	ssyncset.done @!p2 $0x0  }
0x94: {  	s20 =	simm.s32 @!p1 $0x200;
	[sflag:s21] =	ssyncadd.s32 @!p2 $0xFFFFFF80;
	s21 =	simm.s32 @!p1 $0x1  }
0x95: {  	[spmem:s2] =	stream.indirect.scatter.add.f32 @!p1 [tilespmem:s20], [sflag:$0x1], $0x10, s26, s19, $0xb8;
	[tilespmem:$0x6A00] =	vst v63  }
0x96: {  	_ =	swait.ge @!p1 [sflag:s21], $0x800  }
0x97: {  	s30 =	sshll.u32 s0, $0x6;
	s18 =	sadd.s32 $0x1, s18;
	[sflag:s21] =	ssyncset.done @!p1 $0x0  }
0x98: {  	s31 =	sshrl.u32 s4, $0x3;
	p0 =	sne.s32 s18, s7;
	[sflag:s21] =	ssyncadd.s32 @!p1 $0xFFFFF800  }
.Ltmp3:
0x99: {  	s19 =	sor.u32 $0x1C01, s30;
	[bflag:$0x0] =	sbarrier.arrive $0xFFFF;
	(pc) =	sbr.rel @p0 .LBB2_1-.Ltmp3, $4  }
0x9a: {  	[hbm:s6], [sflag:s19] =	dma.local [spmem:s31], $0x2800  }
0x9b: {  	_ =	swait.ge [sflag:s15], $0x2800  }
0x9c: {  	[sflag:s15] =	ssyncset.done $0x0  }
0x9d: {  	[sflag:s15] =	ssyncadd.s32 $0xFFFFD800  }
0x9e: {  	_ =	sfence.sel $0x180000  }
0x9f: {  	[bflag:$0x0] =	sbarrier.arrive $0xFFFF  }
0xa0: {  	p0 =	sne.s32 s0, $0x0;
	_ =	strace $0x90000047  }
0xa1: {  	s0 =	sadd.s32 @!p0 $0x100000, s1;
	[bflag:$0x2] =	sbarrier.arrive $0xFFFF  }
0xa2: {  	[sflag:s0] =	ssyncadd.tile.s32 @!p0 $0x1;
	_ =	shalt  }
.Lfunc_end2:
_tile_overlayer_lowered:
.L_overlay_start_2:
0xa3: {  	(tag) =	ssettag $0x2  }
0xa4: {  	s0 =	rddreg [dreg:$0x0];
	s2 =	stileid.u32  }
0xa5: {  	s1 =	rddreg [dreg:$0x1];
	p0 =	sne.s32 s2, $0x0  }
0xa6: {  	s3 =	rddreg [dreg:$0x2];
	[bflag:$0x3] =	sbarrier.arrive $0xFFFF;
	s2 =	simm.s32 @!p0 $0x1C01  }
0xa7: {  	[timem:s3], [sflag:s2] =	dma.local @!p0 [hbm:s0], s1  }
0xa8: {  	s0 =	simm.s32 @!p0 $0x1  }
0xa9: {  	_ =	swait.ge @!p0 [sflag:s0], s1  }
0xaa: {  	s1 =	ssub.s32 @!p0 $0x0, s1;
	[sflag:s0] =	ssyncset.done @!p0 $0x0  }
0xab: {  	[sflag:s0] =	ssyncadd.s32 @!p0 s1  }
0xac: {  	[bflag:$0x3] =	sbarrier.arrive $0xFFFF  }
0xad: {  	_ =	shalt  }

</sc_bundles>
